<compile_context>
chip_gen: v7x
topology: tpu7x:2x2x1
jax: 0.10.2.dev20260603
libtpu: 0.0.44.dev20260713+nightly
codegen_flags: <defaults>
</compile_context>

<pallas_src>
import functools

import jax
import jax.numpy as jnp
from jax import lax
from jax.experimental import pallas as pl
from jax.experimental.pallas import tpu as pltpu
from jax.experimental.pallas import tpu_sc as plsc

H = 128
U = 4
SUB = 32
BZ = 1024
UB = U * BZ
NKEY = 100000
KB = 2000
IDXBITS = 11
IDXMASK = (1 << IDXBITS) - 1


def _make_w(pr, r0, r1):
    return jnp.concatenate(
        [
            jnp.dot(pr[:, : H // 2], r0, preferred_element_type=jnp.float32),
            jnp.dot(pr[:, H // 2 :], r1, preferred_element_type=jnp.float32),
        ],
        axis=1,
    )


def _subspace_mask(shape):
    row_u = lax.broadcasted_iota(jnp.int32, shape, 0) // BZ
    col_u = lax.broadcasted_iota(jnp.int32, shape, 1) // SUB
    return row_u == col_u


def _search_body(h_ref, key_ref, pr_ref, r0_ref, r1_ref, qh_ref, idx_ref,
                 w_s, qbd_s, e_s, bp_s, bb_s):
    k = pl.program_id(0)
    nsteps = pl.num_programs(0)

    @pl.when(k == 0)
    def _init():
        w = _make_w(pr_ref[...], r0_ref[...], r1_ref[...])
        w_s[...] = w.astype(jnp.bfloat16)
        qh = jnp.dot(h_ref[...], w, preferred_element_type=jnp.float32)
        qh_ref[...] = qh
        qt = jnp.concatenate([qh, qh, qh, qh], axis=0)
        qbd = jnp.where(_subspace_mask((UB, H)), qt, 0.0)
        qn = jnp.sqrt(jnp.sum(qbd * qbd, axis=1, keepdims=True))
        qbd_s[...] = (qbd / jnp.clip(qn, 1e-8, None)).astype(jnp.float8_e4m3fn)
        rg = lax.broadcasted_iota(jnp.int32, (H, H), 0) // SUB
        cg = lax.broadcasted_iota(jnp.int32, (H, H), 1) // SUB
        e_s[...] = jnp.where(rg == cg, 1.0, 0.0).astype(jnp.bfloat16)
        bp_s[...] = jnp.full((1, UB), -3.0, jnp.float32)
        bb_s[...] = jnp.zeros((1, UB), jnp.int32)

    kp = jnp.dot(key_ref[...].astype(jnp.bfloat16), w_s[...],
                 preferred_element_type=jnp.float32)
    n2 = jnp.dot((kp * kp).astype(jnp.bfloat16), e_s[...],
                 preferred_element_type=jnp.float32)
    inv = jnp.minimum(lax.rsqrt(n2), 1e3)
    kn = (kp * inv).astype(jnp.float8_e4m3fn)
    sim = lax.dot_general(kn, qbd_s[...], (((1,), (1,)), ((), ())),
                          preferred_element_type=jnp.float32)
    t = lax.bitcast_convert_type(sim, jnp.int32)
    rowc = IDXMASK - lax.broadcasted_iota(jnp.int32, (KB, 1), 0)
    packed = lax.bitcast_convert_type((t & jnp.int32(~IDXMASK)) | rowc,
                                      jnp.float32)
    p = jnp.max(packed, axis=0, keepdims=True)
    pm = lax.bitcast_convert_type(
        lax.bitcast_convert_type(p, jnp.int32) & jnp.int32(~IDXMASK),
        jnp.float32)
    bm = lax.bitcast_convert_type(
        lax.bitcast_convert_type(bp_s[...], jnp.int32) & jnp.int32(~IDXMASK),
        jnp.float32)
    upd = pm > bm
    bp_s[...] = jnp.where(upd, p, bp_s[...])
    bb_s[...] = jnp.where(upd, k, bb_s[...])

    @pl.when(k == nsteps - 1)
    def _fin():
        pbits = lax.bitcast_convert_type(bp_s[...], jnp.int32)
        local = IDXMASK - (pbits & jnp.int32(IDXMASK))
        idx_ref[...] = bb_s[...] * KB + local


def _run_search(h, key_buffer, previous_R, R0, R1):
    nsteps = NKEY // KB
    return pl.pallas_call(
        _search_body,
        grid=(nsteps,),
        in_specs=[
            pl.BlockSpec((BZ, H), lambda k: (0, 0)),
            pl.BlockSpec((KB, H), lambda k: (k, 0)),
            pl.BlockSpec((H, H), lambda k: (0, 0)),
            pl.BlockSpec((H // 2, H // 2), lambda k: (0, 0)),
            pl.BlockSpec((H // 2, H // 2), lambda k: (0, 0)),
        ],
        out_specs=[
            pl.BlockSpec((BZ, H), lambda k: (0, 0)),
            pl.BlockSpec((1, UB), lambda k: (0, 0)),
        ],
        out_shape=[
            jax.ShapeDtypeStruct((BZ, H), jnp.float32),
            jax.ShapeDtypeStruct((1, UB), jnp.int32),
        ],
        scratch_shapes=[
            pltpu.VMEM((H, H), jnp.bfloat16),
            pltpu.VMEM((UB, H), jnp.float8_e4m3fn),
            pltpu.VMEM((H, H), jnp.bfloat16),
            pltpu.VMEM((1, UB), jnp.float32),
            pltpu.VMEM((1, UB), jnp.int32),
        ],
    )(h, key_buffer, previous_R, R0, R1)


def _run_gather(idx, key_buffer):
    info = plsc.get_sparse_core_info()
    nc, ns = info.num_cores, info.num_subcores
    nw = nc * ns
    bpw = UB // nw
    mesh = plsc.VectorSubcoreMesh(core_axis_name="c", subcore_axis_name="s")

    @functools.partial(
        pl.kernel,
        mesh=mesh,
        out_type=jax.ShapeDtypeStruct((UB, H), jnp.float32),
        scratch_types=[
            pltpu.VMEM((bpw,), jnp.int32),
            pltpu.VMEM((bpw, H), jnp.float32),
            pltpu.SemaphoreType.DMA,
        ],
    )
    def gather(idx_hbm, key_hbm, out_hbm, idx_v, rows_v, sem):
        wid = lax.axis_index("s") * nc + lax.axis_index("c")
        base = wid * bpw
        pltpu.sync_copy(idx_hbm.at[pl.ds(base, bpw)], idx_v)
        pltpu.async_copy(key_hbm.at[idx_v], rows_v, sem).wait()
        pltpu.sync_copy(rows_v, out_hbm.at[pl.ds(base, bpw)])

    return gather(idx, key_buffer)


def _loss_body(g_ref, qh_ref, pr_ref, r0_ref, r1_ref, out_ref):
    w = _make_w(pr_ref[...], r0_ref[...], r1_ref[...])
    gp = jnp.dot(g_ref[...], w, preferred_element_type=jnp.float32)
    qh = qh_ref[...]
    qt = jnp.concatenate([qh, qh, qh, qh], axis=0)
    mask = _subspace_mask((UB, H))
    qm = jnp.where(mask, qt, 0.0)
    gm = jnp.where(mask, gp, 0.0)
    num = jnp.sum(qm * gm, axis=1, keepdims=True)
    nq = jnp.sqrt(jnp.sum(qm * qm, axis=1, keepdims=True))
    ng = jnp.sqrt(jnp.sum(gm * gm, axis=1, keepdims=True))
    cos = num / (jnp.clip(nq, 1e-8, None) * jnp.clip(ng, 1e-8, None))
    out_ref[0, 0] = -jnp.sum(cos) / jnp.float32(UB)


def _run_loss(gathered, qh, previous_R, R0, R1):
    return pl.pallas_call(
        _loss_body,
        out_specs=pl.BlockSpec(memory_space=pltpu.SMEM),
        out_shape=jax.ShapeDtypeStruct((1, 1), jnp.float32),
    )(gathered, qh, previous_R, R0, R1)


def kernel(h, key_buffer, previous_R, R0, R1):
    qh, idx = _run_search(h, key_buffer, previous_R, R0, R1)
    gathered = _run_gather(idx.reshape(UB), key_buffer)
    loss = _run_loss(gathered, qh, previous_R, R0, R1)
    return loss[0, 0]

# --- scband reference (transcript-rebuilt; emitter-appended) ---
"""Pipeline reference for scband-new-split-rtrainer-85461259256172 (READ-ONLY COPY).

The authoritative reference and input builder live on the scoring server;
editing this copy changes nothing except your own understanding.
"""

import jax, jax.numpy as jnp
import numpy as np

H_DIM = 128
PREV_PART = (64, 64)
SPLIT = (32, 32)


def _subspace(h, previous_R, R0, R1):
    # h @ previous_R, split by prev_partition, rotate each chunk, split by new_partition
    h = h @ previous_R
    h0 = h[:, :PREV_PART[0]] @ R0
    h1 = h[:, PREV_PART[0]:] @ R1
    return [h0[:, :SPLIT[0]], h0[:, SPLIT[0]:], h1[:, :SPLIT[0]], h1[:, SPLIT[0]:]]


def _normalize(x, eps):
    n = jnp.clip(jnp.linalg.norm(x, axis=-1, keepdims=True), eps, None)
    return x / n


def _cos_sim(a, b, eps=1e-8):
    na = jnp.clip(jnp.linalg.norm(a, axis=-1), eps, None)
    nb = jnp.clip(jnp.linalg.norm(b, axis=-1), eps, None)
    return jnp.sum(a * b, axis=-1) / (na * nb)


def setup_inputs(seed: int = 0) -> dict:
    key = jax.random.key(seed)
    k1, k2, k3, k4, k5 = jax.random.split(key, 5)
    h = jax.random.normal(k1, (1024, H_DIM), dtype=jnp.float32)
    key_buffer = jax.random.normal(k2, (100000, H_DIM), dtype=jnp.float32)

    def orth(k, d):
        a = jax.random.normal(k, (d, d), dtype=jnp.float32)
        q, _ = jnp.linalg.qr(a)
        return q

    previous_R = orth(k3, H_DIM)
    R0 = orth(k4, PREV_PART[0])
    R1 = orth(k5, PREV_PART[1])
    return {"h": h, "key_buffer": key_buffer, "previous_R": previous_R, "R0": R0, "R1": R1}


def reference(h, key_buffer, previous_R, R0, R1):
    bz = h.shape[0]
    # subspace projections of queries
    query_h = _subspace(h, previous_R, R0, R1)
    num_unit = len(query_h)
    query_n = [_normalize(q, 1e-8) for q in query_h]
    # subspace projections of key buffer (single search step over the whole buffer)
    key_sub = _subspace(key_buffer, previous_R, R0, R1)
    key_n = [_normalize(k, 1e-3) for k in key_sub]
    # per-subspace cosine similarity and nearest-neighbor search
    sim = jnp.stack([q @ k.T for q, k in zip(query_n, key_n)], axis=0)  # [U, B, K]
    max_idx = jnp.argmax(sim, axis=-1)  # [U, B]
    most_sim_vec = jnp.take(key_buffer, max_idx, axis=0)  # gather [U, B, H]
    most_sim_vec = jax.lax.stop_gradient(most_sim_vec)  # matches torch no_grad search
    most_sim_h = _subspace(most_sim_vec.reshape(num_unit * bz, H_DIM), previous_R, R0, R1)
    s = 0.0
    for i in range(num_unit):
        sub_sim = _cos_sim(query_h[i], most_sim_h[i].reshape(num_unit, bz, -1)[i])
        s = s + sub_sim.mean() * query_h[i].shape[-1]
    s = s / H_DIM
    loss = -s
    return loss

if __name__ == "__main__":
    import jax
    _d = setup_inputs()
    print(jax.jit(kernel)(*tuple(_d.values())))

</pallas_src>

<mosaic_0001>
#map = affine_map<(d0, d1) -> (0)>
#map1 = affine_map<(d0, d1) -> (0, 0)>
module attributes {stable_mosaic.version = 14 : i64} {
  func.func @gather(%arg0: i32, %arg1: i32, %arg2: memref<4096xi32, #tpu.memory_space<hbm>>, %arg3: memref<100000x128xf32, #tpu.memory_space<hbm>>, %arg4: memref<4096x128xf32, #tpu.memory_space<hbm>>, %arg5: memref<128xi32, #tpu.memory_space<vmem>>, %arg6: memref<128x128xf32, #tpu.memory_space<vmem>>, %arg7: memref<!tpu.dma_semaphore, #tpu.memory_space<semaphore_mem>>) attributes {dimension_semantics = [#tpu.dimension_semantics<core_parallel>, #tpu.dimension_semantics<subcore_parallel>], iteration_bounds = array<i64: 2, 16>, scalar_prefetch = 0 : i64, scratch_operands = 3 : i64, tpu.core_type = #tpu.core_type<sc_vector_subcore>, window_params = [{transform_indices = #map}, {transform_indices = #map1}, {transform_indices = #map1}]} {
    %mul3A = arith.constant 2 : i32
    %mul3A_0 = arith.muli %arg1, %mul3A : i32
    %add3A = arith.addi %mul3A_0, %arg0 : i32
    %mul3A_1 = arith.constant 128 : i32
    %mul3A_2 = arith.muli %add3A, %mul3A_1 : i32
    "tpu.region"() ({
      %run_scoped3A = tpu.sem_alloc : memref<!tpu.dma_semaphore, #tpu.memory_space<semaphore_mem>>
      %dma_start3A_7 = tpu.memref_slice %arg2[%mul3A_2] : memref<4096xi32, #tpu.memory_space<hbm>> -> memref<128xi32, #tpu.memory_space<hbm>>
      %dma_start3A_8 = tpu.memref_slice %arg2[%mul3A_2] : memref<4096xi32, #tpu.memory_space<hbm>> -> memref<128xi32, #tpu.memory_space<hbm>>
      tpu.enqueue_dma source(%dma_start3A_8 : memref<128xi32, #tpu.memory_space<hbm>>) target(%arg5 : memref<128xi32, #tpu.memory_space<vmem>>) target_semaphore(%run_scoped3A : memref<!tpu.dma_semaphore, #tpu.memory_space<semaphore_mem>>)
      %dma_wait3A_9 = tpu.memref_slice %arg2[%mul3A_2] : memref<4096xi32, #tpu.memory_space<hbm>> -> memref<128xi32, #tpu.memory_space<hbm>>
      %dma_wait3A_10 = tpu.memref_slice %arg2[%mul3A_2] : memref<4096xi32, #tpu.memory_space<hbm>> -> memref<128xi32, #tpu.memory_space<hbm>>
      tpu.wait_dma2 semaphore(%run_scoped3A : memref<!tpu.dma_semaphore, #tpu.memory_space<semaphore_mem>>) src(%dma_wait3A_10 : memref<128xi32, #tpu.memory_space<hbm>>) dst(%arg5 : memref<128xi32, #tpu.memory_space<vmem>>)
      tpu.yield
    }) : () -> ()
    %dma_start3A = arith.constant 0 : i32
    %dma_start3A_3 = arith.constant 0 : i32
    %dma_start3A_4 = tpu.memref_slice %arg3[%dma_start3A, %dma_start3A_3] : memref<100000x128xf32, #tpu.memory_space<hbm>> -> memref<100000x128xf32, #tpu.memory_space<hbm>>
    tpu.enqueue_indirect_dma source(%dma_start3A_4 : memref<100000x128xf32, #tpu.memory_space<hbm>>) target(%arg6 : memref<128x128xf32, #tpu.memory_space<vmem>>) offsets(%arg5 : memref<128xi32, #tpu.memory_space<vmem>>) semaphore(%arg7 : memref<!tpu.dma_semaphore, #tpu.memory_space<semaphore_mem>>)
    %dma_wait3A = arith.constant 0 : i32
    %dma_wait3A_5 = arith.constant 0 : i32
    %dma_wait3A_6 = tpu.memref_slice %arg3[%dma_wait3A, %dma_wait3A_5] : memref<100000x128xf32, #tpu.memory_space<hbm>> -> memref<100000x128xf32, #tpu.memory_space<hbm>>
    tpu.wait_indirect_dma semaphore(%arg7 : memref<!tpu.dma_semaphore, #tpu.memory_space<semaphore_mem>>) src(%dma_wait3A_6 : memref<100000x128xf32, #tpu.memory_space<hbm>>) dst(%arg6 : memref<128x128xf32, #tpu.memory_space<vmem>>)
    "tpu.region"() ({
      %run_scoped3A = tpu.sem_alloc : memref<!tpu.dma_semaphore, #tpu.memory_space<semaphore_mem>>
      %dma_start3A_7 = arith.constant 0 : i32
      %dma_start3A_8 = tpu.memref_slice %arg4[%mul3A_2, %dma_start3A_7] : memref<4096x128xf32, #tpu.memory_space<hbm>> -> memref<128x128xf32, #tpu.memory_space<hbm>>
      %dma_start3A_9 = arith.constant 0 : i32
      %dma_start3A_10 = tpu.memref_slice %arg4[%mul3A_2, %dma_start3A_9] : memref<4096x128xf32, #tpu.memory_space<hbm>> -> memref<128x128xf32, #tpu.memory_space<hbm>>
      tpu.enqueue_dma source(%arg6 : memref<128x128xf32, #tpu.memory_space<vmem>>) target(%dma_start3A_10 : memref<128x128xf32, #tpu.memory_space<hbm>>) target_semaphore(%run_scoped3A : memref<!tpu.dma_semaphore, #tpu.memory_space<semaphore_mem>>)
      %dma_wait3A_11 = arith.constant 0 : i32
      %dma_wait3A_12 = tpu.memref_slice %arg4[%mul3A_2, %dma_wait3A_11] : memref<4096x128xf32, #tpu.memory_space<hbm>> -> memref<128x128xf32, #tpu.memory_space<hbm>>
      %dma_wait3A_13 = arith.constant 0 : i32
      %dma_wait3A_14 = tpu.memref_slice %arg4[%mul3A_2, %dma_wait3A_13] : memref<4096x128xf32, #tpu.memory_space<hbm>> -> memref<128x128xf32, #tpu.memory_space<hbm>>
      tpu.wait_dma2 semaphore(%run_scoped3A : memref<!tpu.dma_semaphore, #tpu.memory_space<semaphore_mem>>) src(%arg6 : memref<128x128xf32, #tpu.memory_space<vmem>>) dst(%dma_wait3A_14 : memref<128x128xf32, #tpu.memory_space<hbm>>)
      tpu.yield
    }) : () -> ()
    return
  }
}

module attributes {stable_mosaic.version = 14 : i64} {
  func.func @_search_body(%arg0: i32, %arg1: memref<1024x128xf32, #tpu.memory_space<vmem>>, %arg2: memref<2000x128xf32, #tpu.memory_space<vmem>>, %arg3: memref<128x128xf32, #tpu.memory_space<vmem>>, %arg4: memref<64x64xf32, #tpu.memory_space<vmem>>, %arg5: memref<64x64xf32, #tpu.memory_space<vmem>>, %arg6: memref<1024x128xf32, #tpu.memory_space<vmem>>, %arg7: memref<1x4096xi32, #tpu.memory_space<vmem>>, %arg8: memref<128x128xbf16, #tpu.memory_space<vmem>>, %arg9: memref<4096x128xf8E4M3FN, #tpu.memory_space<vmem>>, %arg10: memref<128x128xbf16, #tpu.memory_space<vmem>>, %arg11: memref<1x4096xf32, #tpu.memory_space<vmem>>, %arg12: memref<1x4096xi32, #tpu.memory_space<vmem>>) attributes {dimension_semantics = [#tpu.dimension_semantics<arbitrary>], iteration_bounds = array<i64: 50>, scalar_prefetch = 0 : i64, scratch_operands = 5 : i64, tpu.core_type = #tpu.core_type<tc>, window_params = [{pipeline_mode = #tpu.pipeline_mode<synchronous>, transform_indices = @transform_0, window_bounds = array<i64: 1024, 128>}, {transform_indices = @transform_1, window_bounds = array<i64: 2000, 128>}, {pipeline_mode = #tpu.pipeline_mode<synchronous>, transform_indices = @transform_2, window_bounds = array<i64: 128, 128>}, {pipeline_mode = #tpu.pipeline_mode<synchronous>, transform_indices = @transform_3, window_bounds = array<i64: 64, 64>}, {pipeline_mode = #tpu.pipeline_mode<synchronous>, transform_indices = @transform_4, window_bounds = array<i64: 64, 64>}, {pipeline_mode = #tpu.pipeline_mode<synchronous>, transform_indices = @transform_5, window_bounds = array<i64: 1024, 128>}, {pipeline_mode = #tpu.pipeline_mode<synchronous>, transform_indices = @transform_6, window_bounds = array<i64: 1, 4096>}]} {
    %eq3A = arith.constant 0 : i32
    %eq3A_0 = arith.cmpi eq, %arg0, %eq3A : i32
    %convert_element_type3A = arith.extui %eq3A_0 : i1 to i32
    %cond3A = arith.constant 0 : i32
    %cond3A_1 = arith.cmpi ne, %convert_element_type3A, %cond3A : i32
    scf.if %cond3A_1 {
      %get3A_62 = arith.constant 0 : index
      %get3A_63 = arith.constant 0 : index
      %get3A_64 = vector.load %arg3[%get3A_62, %get3A_63] : memref<128x128xf32, #tpu.memory_space<vmem>>, vector<128x128xf32>
      %get3A_65 = arith.constant 0 : index
      %get3A_66 = arith.constant 0 : index
      %get3A_67 = vector.load %arg4[%get3A_65, %get3A_66] : memref<64x64xf32, #tpu.memory_space<vmem>>, vector<64x64xf32>
      %get3A_68 = arith.constant 0 : index
      %get3A_69 = arith.constant 0 : index
      %get3A_70 = vector.load %arg5[%get3A_68, %get3A_69] : memref<64x64xf32, #tpu.memory_space<vmem>>, vector<64x64xf32>
      %slice3A = vector.extract_strided_slice %get3A_64 {offsets = [0, 0], sizes = [128, 64], strides = [1, 1]} : vector<128x128xf32> to vector<128x64xf32>
      %dot_general3A_71 = arith.constant dense<0.000000e+00> : vector<128x64xf32>
      %dot_general3A_72 = tpu.matmul %slice3A, %get3A_67, %dot_general3A_71 {dimension_numbers = #tpu.dot_dimension_numbers<[1], [0], [0], [1], [0, 0, 1, 1], [], []>, transpose_lhs_hint = false} : vector<128x64xf32>, vector<64x64xf32>, vector<128x64xf32> -> vector<128x64xf32>
      %slice3A_73 = vector.extract_strided_slice %get3A_64 {offsets = [0, 64], sizes = [128, 64], strides = [1, 1]} : vector<128x128xf32> to vector<128x64xf32>
      %dot_general3A_74 = arith.constant dense<0.000000e+00> : vector<128x64xf32>
      %dot_general3A_75 = tpu.matmul %slice3A_73, %get3A_70, %dot_general3A_74 {dimension_numbers = #tpu.dot_dimension_numbers<[1], [0], [0], [1], [0, 0, 1, 1], [], []>, transpose_lhs_hint = false} : vector<128x64xf32>, vector<64x64xf32>, vector<128x64xf32> -> vector<128x64xf32>
      %concatenate3A = tpu.concatenate %dot_general3A_72, %dot_general3A_75 in 1 : vector<128x64xf32>, vector<128x64xf32> -> vector<128x128xf32>
      %convert_element_type3A_76 = arith.truncf %concatenate3A : vector<128x128xf32> to vector<128x128xbf16>
      %swap3A_77 = arith.constant 0 : index
      %swap3A_78 = arith.constant 0 : index
      %swap3A_79 = vector.load %arg8[%swap3A_77, %swap3A_78] : memref<128x128xbf16, #tpu.memory_space<vmem>>, vector<128x128xbf16>
      tpu.vector_store %arg8[%swap3A_77, %swap3A_78], %convert_element_type3A_76 {strides = array<i32>} : memref<128x128xbf16, #tpu.memory_space<vmem>>, vector<128x128xbf16>,
      %get3A_80 = arith.constant 0 : index
      %get3A_81 = arith.constant 0 : index
      %get3A_82 = vector.load %arg1[%get3A_80, %get3A_81] : memref<1024x128xf32, #tpu.memory_space<vmem>>, vector<1024x128xf32>
      %dot_general3A_83 = arith.constant dense<0.000000e+00> : vector<1024x128xf32>
      %dot_general3A_84 = tpu.matmul %get3A_82, %concatenate3A, %dot_general3A_83 {dimension_numbers = #tpu.dot_dimension_numbers<[1], [0], [0], [1], [0, 0, 1, 1], [], []>, transpose_lhs_hint = false} : vector<1024x128xf32>, vector<128x128xf32>, vector<1024x128xf32> -> vector<1024x128xf32>
      %swap3A_85 = arith.constant 0 : index
      %swap3A_86 = arith.constant 0 : index
      %swap3A_87 = vector.load %arg6[%swap3A_85, %swap3A_86] : memref<1024x128xf32, #tpu.memory_space<vmem>>, vector<1024x128xf32>
      tpu.vector_store %arg6[%swap3A_85, %swap3A_86], %dot_general3A_84 {strides = array<i32>} : memref<1024x128xf32, #tpu.memory_space<vmem>>, vector<1024x128xf32>,
      %concatenate3A_88 = tpu.concatenate %dot_general3A_84, %dot_general3A_84, %dot_general3A_84, %dot_general3A_84 in 0 : vector<1024x128xf32>, vector<1024x128xf32>, vector<1024x128xf32>, vector<1024x128xf32> -> vector<4096x128xf32>
      %iota3A_89 = tpu.iota {dimensions = array<i32: 0>} : vector<4096x128xi32>
      %jit3A = arith.constant 1024 : i32
      %div3A = vector.broadcast %jit3A : i32 to vector<4096x128xi32>
      %div3A_90 = arith.divsi %iota3A_89, %div3A : vector<4096x128xi32>
      %sign3A = arith.constant 0 : i32
      %sign3A_91 = vector.broadcast %sign3A : i32 to vector<4096x128xi32>
      %sign3A_92 = arith.cmpi sgt, %iota3A_89, %sign3A_91 : vector<4096x128xi32>
      %sign3A_93 = arith.extui %sign3A_92 : vector<4096x128xi1> to vector<4096x128xi32>
      %sign3A_94 = arith.constant 0 : i32
      %sign3A_95 = vector.broadcast %sign3A_94 : i32 to vector<4096x128xi32>
      %sign3A_96 = arith.cmpi slt, %iota3A_89, %sign3A_95 : vector<4096x128xi32>
      %sign3A_97 = arith.extui %sign3A_96 : vector<4096x128xi1> to vector<4096x128xi32>
      %sign3A_98 = arith.subi %sign3A_93, %sign3A_97 : vector<4096x128xi32>
      %sign3A_99 = arith.constant 0 : i32
      %sign3A_100 = arith.cmpi sgt, %jit3A, %sign3A_99 : i32
      %sign3A_101 = arith.extui %sign3A_100 : i1 to i32
      %sign3A_102 = arith.constant 0 : i32
      %sign3A_103 = arith.cmpi slt, %jit3A, %sign3A_102 : i32
      %sign3A_104 = arith.extui %sign3A_103 : i1 to i32
      %sign3A_105 = arith.subi %sign3A_101, %sign3A_104 : i32
      %ne3A = vector.broadcast %sign3A_105 : i32 to vector<4096x128xi32>
      %ne3A_106 = arith.cmpi ne, %sign3A_98, %ne3A : vector<4096x128xi32>
      %rem3A = vector.broadcast %jit3A : i32 to vector<4096x128xi32>
      %rem3A_107 = arith.remsi %iota3A_89, %rem3A : vector<4096x128xi32>
      %ne3A_108 = arith.constant 0 : i32
      %ne3A_109 = vector.broadcast %ne3A_108 : i32 to vector<4096x128xi32>
      %ne3A_110 = arith.cmpi ne, %rem3A_107, %ne3A_109 : vector<4096x128xi32>
      %and3A_111 = arith.andi %ne3A_106, %ne3A_110 : vector<4096x128xi1>
      %sub3A_112 = arith.constant 1 : i32
      %sub3A_113 = vector.broadcast %sub3A_112 : i32 to vector<4096x128xi32>
      %sub3A_114 = arith.subi %div3A_90, %sub3A_113 : vector<4096x128xi32>
      %select_n3A_115 = arith.select %and3A_111, %sub3A_114, %div3A_90 : vector<4096x128xi1>, vector<4096x128xi32>
      %iota3A_116 = tpu.iota {dimensions = array<i32: 1>} : vector<4096x128xi32>
      %jit3A_117 = arith.constant 32 : i32
      %div3A_118 = vector.broadcast %jit3A_117 : i32 to vector<4096x128xi32>
      %div3A_119 = arith.divsi %iota3A_116, %div3A_118 : vector<4096x128xi32>
      %sign3A_120 = arith.constant 0 : i32
      %sign3A_121 = vector.broadcast %sign3A_120 : i32 to vector<4096x128xi32>
      %sign3A_122 = arith.cmpi sgt, %iota3A_116, %sign3A_121 : vector<4096x128xi32>
      %sign3A_123 = arith.extui %sign3A_122 : vector<4096x128xi1> to vector<4096x128xi32>
      %sign3A_124 = arith.constant 0 : i32
      %sign3A_125 = vector.broadcast %sign3A_124 : i32 to vector<4096x128xi32>
      %sign3A_126 = arith.cmpi slt, %iota3A_116, %sign3A_125 : vector<4096x128xi32>
      %sign3A_127 = arith.extui %sign3A_126 : vector<4096x128xi1> to vector<4096x128xi32>
      %sign3A_128 = arith.subi %sign3A_123, %sign3A_127 : vector<4096x128xi32>
      %sign3A_129 = arith.constant 0 : i32
      %sign3A_130 = arith.cmpi sgt, %jit3A_117, %sign3A_129 : i32
      %sign3A_131 = arith.extui %sign3A_130 : i1 to i32
      %sign3A_132 = arith.constant 0 : i32
      %sign3A_133 = arith.cmpi slt, %jit3A_117, %sign3A_132 : i32
      %sign3A_134 = arith.extui %sign3A_133 : i1 to i32
      %sign3A_135 = arith.subi %sign3A_131, %sign3A_134 : i32
      %ne3A_136 = vector.broadcast %sign3A_135 : i32 to vector<4096x128xi32>
      %ne3A_137 = arith.cmpi ne, %sign3A_128, %ne3A_136 : vector<4096x128xi32>
      %rem3A_138 = vector.broadcast %jit3A_117 : i32 to vector<4096x128xi32>
      %rem3A_139 = arith.remsi %iota3A_116, %rem3A_138 : vector<4096x128xi32>
      %ne3A_140 = arith.constant 0 : i32
      %ne3A_141 = vector.broadcast %ne3A_140 : i32 to vector<4096x128xi32>
      %ne3A_142 = arith.cmpi ne, %rem3A_139, %ne3A_141 : vector<4096x128xi32>
      %and3A_143 = arith.andi %ne3A_137, %ne3A_142 : vector<4096x128xi1>
      %sub3A_144 = arith.constant 1 : i32
      %sub3A_145 = vector.broadcast %sub3A_144 : i32 to vector<4096x128xi32>
      %sub3A_146 = arith.subi %div3A_119, %sub3A_145 : vector<4096x128xi32>
      %select_n3A_147 = arith.select %and3A_143, %sub3A_146, %div3A_119 : vector<4096x128xi1>, vector<4096x128xi32>
      %eq3A_148 = arith.cmpi eq, %select_n3A_115, %select_n3A_147 : vector<4096x128xi32>
      %jit3A_149 = arith.constant 0.000000e+00 : f32
      %broadcast_in_dim3A_150 = vector.broadcast %jit3A_149 : f32 to vector<4096x128xf32>
      %select_n3A_151 = arith.select %eq3A_148, %concatenate3A_88, %broadcast_in_dim3A_150 : vector<4096x128xi1>, vector<4096x128xf32>
      %mul3A_152 = arith.mulf %select_n3A_151, %select_n3A_151 : vector<4096x128xf32>
      %reduce_sum3A = arith.constant dense<0.000000e+00> : vector<4096xf32>
      %reduce_sum3A_153 = vector.multi_reduction <add>, %mul3A_152, %reduce_sum3A [1] : vector<4096x128xf32> to vector<4096xf32>
      %broadcast_in_dim3A_154 = vector.shape_cast %reduce_sum3A_153 : vector<4096xf32> to vector<4096x1xf32>
      %sqrt3A = math.sqrt %broadcast_in_dim3A_154 : vector<4096x1xf32>
      %jit3A_155 = arith.constant 9.99999993E-9 : f32
      %max3A = vector.broadcast %jit3A_155 : f32 to vector<4096x1xf32>
      %max3A_156 = arith.maximumf %max3A, %sqrt3A : vector<4096x1xf32>
      %div3A_157 = vector.broadcast %max3A_156 : vector<4096x1xf32> to vector<4096x128xf32>
      %div3A_158 = arith.divf %select_n3A_151, %div3A_157 : vector<4096x128xf32>
      %convert_element_type3A_159 = arith.truncf %div3A_158 : vector<4096x128xf32> to vector<4096x128xf8E4M3FN>
      %swap3A_160 = arith.constant 0 : index
      %swap3A_161 = arith.constant 0 : index
      %swap3A_162 = vector.load %arg9[%swap3A_160, %swap3A_161] : memref<4096x128xf8E4M3FN, #tpu.memory_space<vmem>>, vector<4096x128xf8E4M3FN>
      tpu.vector_store %arg9[%swap3A_160, %swap3A_161], %convert_element_type3A_159 {strides = array<i32>} : memref<4096x128xf8E4M3FN, #tpu.memory_space<vmem>>, vector<4096x128xf8E4M3FN>,
      %iota3A_163 = tpu.iota {dimensions = array<i32: 0>} : vector<128x128xi32>
      %jit3A_164 = arith.constant 32 : i32
      %div3A_165 = vector.broadcast %jit3A_164 : i32 to vector<128x128xi32>
      %div3A_166 = arith.divsi %iota3A_163, %div3A_165 : vector<128x128xi32>
      %sign3A_167 = arith.constant 0 : i32
      %sign3A_168 = vector.broadcast %sign3A_167 : i32 to vector<128x128xi32>
      %sign3A_169 = arith.cmpi sgt, %iota3A_163, %sign3A_168 : vector<128x128xi32>
      %sign3A_170 = arith.extui %sign3A_169 : vector<128x128xi1> to vector<128x128xi32>
      %sign3A_171 = arith.constant 0 : i32
      %sign3A_172 = vector.broadcast %sign3A_171 : i32 to vector<128x128xi32>
      %sign3A_173 = arith.cmpi slt, %iota3A_163, %sign3A_172 : vector<128x128xi32>
      %sign3A_174 = arith.extui %sign3A_173 : vector<128x128xi1> to vector<128x128xi32>
      %sign3A_175 = arith.subi %sign3A_170, %sign3A_174 : vector<128x128xi32>
      %sign3A_176 = arith.constant 0 : i32
      %sign3A_177 = arith.cmpi sgt, %jit3A_164, %sign3A_176 : i32
      %sign3A_178 = arith.extui %sign3A_177 : i1 to i32
      %sign3A_179 = arith.constant 0 : i32
      %sign3A_180 = arith.cmpi slt, %jit3A_164, %sign3A_179 : i32
      %sign3A_181 = arith.extui %sign3A_180 : i1 to i32
      %sign3A_182 = arith.subi %sign3A_178, %sign3A_181 : i32
      %ne3A_183 = vector.broadcast %sign3A_182 : i32 to vector<128x128xi32>
      %ne3A_184 = arith.cmpi ne, %sign3A_175, %ne3A_183 : vector<128x128xi32>
      %rem3A_185 = vector.broadcast %jit3A_164 : i32 to vector<128x128xi32>
      %rem3A_186 = arith.remsi %iota3A_163, %rem3A_185 : vector<128x128xi32>
      %ne3A_187 = arith.constant 0 : i32
      %ne3A_188 = vector.broadcast %ne3A_187 : i32 to vector<128x128xi32>
      %ne3A_189 = arith.cmpi ne, %rem3A_186, %ne3A_188 : vector<128x128xi32>
      %and3A_190 = arith.andi %ne3A_184, %ne3A_189 : vector<128x128xi1>
      %sub3A_191 = arith.constant 1 : i32
      %sub3A_192 = vector.broadcast %sub3A_191 : i32 to vector<128x128xi32>
      %sub3A_193 = arith.subi %div3A_166, %sub3A_192 : vector<128x128xi32>
      %select_n3A_194 = arith.select %and3A_190, %sub3A_193, %div3A_166 : vector<128x128xi1>, vector<128x128xi32>
      %iota3A_195 = tpu.iota {dimensions = array<i32: 1>} : vector<128x128xi32>
      %jit3A_196 = arith.constant 32 : i32
      %div3A_197 = vector.broadcast %jit3A_196 : i32 to vector<128x128xi32>
      %div3A_198 = arith.divsi %iota3A_195, %div3A_197 : vector<128x128xi32>
      %sign3A_199 = arith.constant 0 : i32
      %sign3A_200 = vector.broadcast %sign3A_199 : i32 to vector<128x128xi32>
      %sign3A_201 = arith.cmpi sgt, %iota3A_195, %sign3A_200 : vector<128x128xi32>
      %sign3A_202 = arith.extui %sign3A_201 : vector<128x128xi1> to vector<128x128xi32>
      %sign3A_203 = arith.constant 0 : i32
      %sign3A_204 = vector.broadcast %sign3A_203 : i32 to vector<128x128xi32>
      %sign3A_205 = arith.cmpi slt, %iota3A_195, %sign3A_204 : vector<128x128xi32>
      %sign3A_206 = arith.extui %sign3A_205 : vector<128x128xi1> to vector<128x128xi32>
      %sign3A_207 = arith.subi %sign3A_202, %sign3A_206 : vector<128x128xi32>
      %sign3A_208 = arith.constant 0 : i32
      %sign3A_209 = arith.cmpi sgt, %jit3A_196, %sign3A_208 : i32
      %sign3A_210 = arith.extui %sign3A_209 : i1 to i32
      %sign3A_211 = arith.constant 0 : i32
      %sign3A_212 = arith.cmpi slt, %jit3A_196, %sign3A_211 : i32
      %sign3A_213 = arith.extui %sign3A_212 : i1 to i32
      %sign3A_214 = arith.subi %sign3A_210, %sign3A_213 : i32
      %ne3A_215 = vector.broadcast %sign3A_214 : i32 to vector<128x128xi32>
      %ne3A_216 = arith.cmpi ne, %sign3A_207, %ne3A_215 : vector<128x128xi32>
      %rem3A_217 = vector.broadcast %jit3A_196 : i32 to vector<128x128xi32>
      %rem3A_218 = arith.remsi %iota3A_195, %rem3A_217 : vector<128x128xi32>
      %ne3A_219 = arith.constant 0 : i32
      %ne3A_220 = vector.broadcast %ne3A_219 : i32 to vector<128x128xi32>
      %ne3A_221 = arith.cmpi ne, %rem3A_218, %ne3A_220 : vector<128x128xi32>
      %and3A_222 = arith.andi %ne3A_216, %ne3A_221 : vector<128x128xi1>
      %sub3A_223 = arith.constant 1 : i32
      %sub3A_224 = vector.broadcast %sub3A_223 : i32 to vector<128x128xi32>
      %sub3A_225 = arith.subi %div3A_198, %sub3A_224 : vector<128x128xi32>
      %select_n3A_226 = arith.select %and3A_222, %sub3A_225, %div3A_198 : vector<128x128xi1>, vector<128x128xi32>
      %eq3A_227 = arith.cmpi eq, %select_n3A_194, %select_n3A_226 : vector<128x128xi32>
      %jit3A_228 = arith.constant 1.000000e+00 : f32
      %jit3A_229 = arith.constant 0.000000e+00 : f32
      %broadcast_in_dim3A_230 = vector.broadcast %jit3A_228 : f32 to vector<128x128xf32>
      %broadcast_in_dim3A_231 = vector.broadcast %jit3A_229 : f32 to vector<128x128xf32>
      %select_n3A_232 = arith.select %eq3A_227, %broadcast_in_dim3A_230, %broadcast_in_dim3A_231 : vector<128x128xi1>, vector<128x128xf32>
      %convert_element_type3A_233 = arith.truncf %select_n3A_232 : vector<128x128xf32> to vector<128x128xbf16>
      %swap3A_234 = arith.constant 0 : index
      %swap3A_235 = arith.constant 0 : index
      %swap3A_236 = vector.load %arg10[%swap3A_234, %swap3A_235] : memref<128x128xbf16, #tpu.memory_space<vmem>>, vector<128x128xbf16>
      tpu.vector_store %arg10[%swap3A_234, %swap3A_235], %convert_element_type3A_233 {strides = array<i32>} : memref<128x128xbf16, #tpu.memory_space<vmem>>, vector<128x128xbf16>,
      %broadcast_in_dim3A_237 = arith.constant -3.000000e+00 : f32
      %broadcast_in_dim3A_238 = vector.broadcast %broadcast_in_dim3A_237 : f32 to vector<1x4096xf32>
      %swap3A_239 = arith.constant 0 : index
      %swap3A_240 = arith.constant 0 : index
      %swap3A_241 = vector.load %arg11[%swap3A_239, %swap3A_240] : memref<1x4096xf32, #tpu.memory_space<vmem>>, vector<1x4096xf32>
      tpu.vector_store %arg11[%swap3A_239, %swap3A_240], %broadcast_in_dim3A_238 {strides = array<i32>} : memref<1x4096xf32, #tpu.memory_space<vmem>>, vector<1x4096xf32>,
      %broadcast_in_dim3A_242 = arith.constant 0 : i32
      %broadcast_in_dim3A_243 = vector.broadcast %broadcast_in_dim3A_242 : i32 to vector<1x4096xi32>
      %swap3A_244 = arith.constant 0 : index
      %swap3A_245 = arith.constant 0 : index
      %swap3A_246 = vector.load %arg12[%swap3A_244, %swap3A_245] : memref<1x4096xi32, #tpu.memory_space<vmem>>, vector<1x4096xi32>
      tpu.vector_store %arg12[%swap3A_244, %swap3A_245], %broadcast_in_dim3A_243 {strides = array<i32>} : memref<1x4096xi32, #tpu.memory_space<vmem>>, vector<1x4096xi32>,
    } else {
    }
    %get3A = arith.constant 0 : index
    %get3A_2 = arith.constant 0 : index
    %get3A_3 = vector.load %arg2[%get3A, %get3A_2] : memref<2000x128xf32, #tpu.memory_space<vmem>>, vector<2000x128xf32>
    %convert_element_type3A_4 = arith.truncf %get3A_3 : vector<2000x128xf32> to vector<2000x128xbf16>
    %get3A_5 = arith.constant 0 : index
    %get3A_6 = arith.constant 0 : index
    %get3A_7 = vector.load %arg8[%get3A_5, %get3A_6] : memref<128x128xbf16, #tpu.memory_space<vmem>>, vector<128x128xbf16>
    %dot_general3A = arith.constant dense<0.000000e+00> : vector<2000x128xf32>
    %dot_general3A_8 = tpu.matmul %convert_element_type3A_4, %get3A_7, %dot_general3A {dimension_numbers = #tpu.dot_dimension_numbers<[1], [0], [0], [1], [0, 0, 1, 1], [], []>, transpose_lhs_hint = false} : vector<2000x128xbf16>, vector<128x128xbf16>, vector<2000x128xf32> -> vector<2000x128xf32>
    %mul3A = arith.mulf %dot_general3A_8, %dot_general3A_8 : vector<2000x128xf32>
    %convert_element_type3A_9 = arith.truncf %mul3A : vector<2000x128xf32> to vector<2000x128xbf16>
    %get3A_10 = arith.constant 0 : index
    %get3A_11 = arith.constant 0 : index
    %get3A_12 = vector.load %arg10[%get3A_10, %get3A_11] : memref<128x128xbf16, #tpu.memory_space<vmem>>, vector<128x128xbf16>
    %dot_general3A_13 = arith.constant dense<0.000000e+00> : vector<2000x128xf32>
    %dot_general3A_14 = tpu.matmul %convert_element_type3A_9, %get3A_12, %dot_general3A_13 {dimension_numbers = #tpu.dot_dimension_numbers<[1], [0], [0], [1], [0, 0, 1, 1], [], []>, transpose_lhs_hint = false} : vector<2000x128xbf16>, vector<128x128xbf16>, vector<2000x128xf32> -> vector<2000x128xf32>
    %rsqrt3A = math.rsqrt %dot_general3A_14 : vector<2000x128xf32>
    %min3A = arith.constant 1.000000e+03 : f32
    %min3A_15 = vector.broadcast %min3A : f32 to vector<2000x128xf32>
    %min3A_16 = arith.minimumf %rsqrt3A, %min3A_15 : vector<2000x128xf32>
    %mul3A_17 = arith.mulf %dot_general3A_8, %min3A_16 : vector<2000x128xf32>
    %convert_element_type3A_18 = arith.truncf %mul3A_17 : vector<2000x128xf32> to vector<2000x128xf8E4M3FN>
    %get3A_19 = arith.constant 0 : index
    %get3A_20 = arith.constant 0 : index
    %get3A_21 = vector.load %arg9[%get3A_19, %get3A_20] : memref<4096x128xf8E4M3FN, #tpu.memory_space<vmem>>, vector<4096x128xf8E4M3FN>
    %dot_general3A_22 = arith.constant dense<0.000000e+00> : vector<2000x4096xf32>
    %dot_general3A_23 = tpu.matmul %convert_element_type3A_18, %get3A_21, %dot_general3A_22 {dimension_numbers = #tpu.dot_dimension_numbers<[1], [1], [0], [0], [0, 0, 1, 0], [], []>, transpose_lhs_hint = false} : vector<2000x128xf8E4M3FN>, vector<4096x128xf8E4M3FN>, vector<2000x4096xf32> -> vector<2000x4096xf32>
    %bitcast_convert_type3A = tpu.bitcast %dot_general3A_23 : vector<2000x4096xf32> -> vector<2000x4096xi32>
    %iota3A = tpu.iota {dimensions = array<i32: 0>} : vector<2000x1xi32>
    %sub3A = arith.constant 2047 : i32
    %sub3A_24 = vector.broadcast %sub3A : i32 to vector<2000x1xi32>
    %sub3A_25 = arith.subi %sub3A_24, %iota3A : vector<2000x1xi32>
    %and3A = arith.constant -2048 : i32
    %and3A_26 = vector.broadcast %and3A : i32 to vector<2000x4096xi32>
    %and3A_27 = arith.andi %bitcast_convert_type3A, %and3A_26 : vector<2000x4096xi32>
    %or3A = vector.broadcast %sub3A_25 : vector<2000x1xi32> to vector<2000x4096xi32>
    %or3A_28 = arith.ori %and3A_27, %or3A : vector<2000x4096xi32>
    %bitcast_convert_type3A_29 = tpu.bitcast %or3A_28 : vector<2000x4096xi32> -> vector<2000x4096xf32>
    %reduce_max3A = arith.constant dense<0xFF800000> : vector<4096xf32>
    %reduce_max3A_30 = vector.multi_reduction <maximumf>, %bitcast_convert_type3A_29, %reduce_max3A [0] : vector<2000x4096xf32> to vector<4096xf32>
    %broadcast_in_dim3A = vector.shape_cast %reduce_max3A_30 : vector<4096xf32> to vector<1x4096xf32>
    %bitcast_convert_type3A_31 = tpu.bitcast %broadcast_in_dim3A : vector<1x4096xf32> -> vector<1x4096xi32>
    %and3A_32 = arith.constant -2048 : i32
    %and3A_33 = vector.broadcast %and3A_32 : i32 to vector<1x4096xi32>
    %and3A_34 = arith.andi %bitcast_convert_type3A_31, %and3A_33 : vector<1x4096xi32>
    %bitcast_convert_type3A_35 = tpu.bitcast %and3A_34 : vector<1x4096xi32> -> vector<1x4096xf32>
    %get3A_36 = arith.constant 0 : index
    %get3A_37 = arith.constant 0 : index
    %get3A_38 = vector.load %arg11[%get3A_36, %get3A_37] : memref<1x4096xf32, #tpu.memory_space<vmem>>, vector<1x4096xf32>
    %bitcast_convert_type3A_39 = tpu.bitcast %get3A_38 : vector<1x4096xf32> -> vector<1x4096xi32>
    %and3A_40 = arith.constant -2048 : i32
    %and3A_41 = vector.broadcast %and3A_40 : i32 to vector<1x4096xi32>
    %and3A_42 = arith.andi %bitcast_convert_type3A_39, %and3A_41 : vector<1x4096xi32>
    %bitcast_convert_type3A_43 = tpu.bitcast %and3A_42 : vector<1x4096xi32> -> vector<1x4096xf32>
    %gt3A = arith.cmpf ogt, %bitcast_convert_type3A_35, %bitcast_convert_type3A_43 : vector<1x4096xf32>
    %get3A_44 = arith.constant 0 : index
    %get3A_45 = arith.constant 0 : index
    %get3A_46 = vector.load %arg11[%get3A_44, %get3A_45] : memref<1x4096xf32, #tpu.memory_space<vmem>>, vector<1x4096xf32>
    %select_n3A = arith.select %gt3A, %broadcast_in_dim3A, %get3A_46 : vector<1x4096xi1>, vector<1x4096xf32>
    %swap3A = arith.constant 0 : index
    %swap3A_47 = arith.constant 0 : index
    %swap3A_48 = vector.load %arg11[%swap3A, %swap3A_47] : memref<1x4096xf32, #tpu.memory_space<vmem>>, vector<1x4096xf32>
    tpu.vector_store %arg11[%swap3A, %swap3A_47], %select_n3A {strides = array<i32>} : memref<1x4096xf32, #tpu.memory_space<vmem>>, vector<1x4096xf32>,
    %get3A_49 = arith.constant 0 : index
    %get3A_50 = arith.constant 0 : index
    %get3A_51 = vector.load %arg12[%get3A_49, %get3A_50] : memref<1x4096xi32, #tpu.memory_space<vmem>>, vector<1x4096xi32>
    %broadcast_in_dim3A_52 = vector.broadcast %arg0 : i32 to vector<1x4096xi32>
    %select_n3A_53 = arith.select %gt3A, %broadcast_in_dim3A_52, %get3A_51 : vector<1x4096xi1>, vector<1x4096xi32>
    %swap3A_54 = arith.constant 0 : index
    %swap3A_55 = arith.constant 0 : index
    %swap3A_56 = vector.load %arg12[%swap3A_54, %swap3A_55] : memref<1x4096xi32, #tpu.memory_space<vmem>>, vector<1x4096xi32>
    tpu.vector_store %arg12[%swap3A_54, %swap3A_55], %select_n3A_53 {strides = array<i32>} : memref<1x4096xi32, #tpu.memory_space<vmem>>, vector<1x4096xi32>,
    %eq3A_57 = arith.constant 49 : i32
    %eq3A_58 = arith.cmpi eq, %arg0, %eq3A_57 : i32
    %convert_element_type3A_59 = arith.extui %eq3A_58 : i1 to i32
    %cond3A_60 = arith.constant 0 : i32
    %cond3A_61 = arith.cmpi ne, %convert_element_type3A_59, %cond3A_60 : i32
    scf.if %cond3A_61 {
      %get3A_62 = arith.constant 0 : index
      %get3A_63 = arith.constant 0 : index
      %get3A_64 = vector.load %arg11[%get3A_62, %get3A_63] : memref<1x4096xf32, #tpu.memory_space<vmem>>, vector<1x4096xf32>
      %bitcast_convert_type3A_65 = tpu.bitcast %get3A_64 : vector<1x4096xf32> -> vector<1x4096xi32>
      %and3A_66 = arith.constant 2047 : i32
      %and3A_67 = vector.broadcast %and3A_66 : i32 to vector<1x4096xi32>
      %and3A_68 = arith.andi %bitcast_convert_type3A_65, %and3A_67 : vector<1x4096xi32>
      %sub3A_69 = arith.constant 2047 : i32
      %sub3A_70 = vector.broadcast %sub3A_69 : i32 to vector<1x4096xi32>
      %sub3A_71 = arith.subi %sub3A_70, %and3A_68 : vector<1x4096xi32>
      %get3A_72 = arith.constant 0 : index
      %get3A_73 = arith.constant 0 : index
      %get3A_74 = vector.load %arg12[%get3A_72, %get3A_73] : memref<1x4096xi32, #tpu.memory_space<vmem>>, vector<1x4096xi32>
      %mul3A_75 = arith.constant 2000 : i32
      %mul3A_76 = vector.broadcast %mul3A_75 : i32 to vector<1x4096xi32>
      %mul3A_77 = arith.muli %get3A_74, %mul3A_76 : vector<1x4096xi32>
      %add3A = arith.addi %mul3A_77, %sub3A_71 : vector<1x4096xi32>
      %swap3A_78 = arith.constant 0 : index
      %swap3A_79 = arith.constant 0 : index
      %swap3A_80 = vector.load %arg7[%swap3A_78, %swap3A_79] : memref<1x4096xi32, #tpu.memory_space<vmem>>, vector<1x4096xi32>
      tpu.vector_store %arg7[%swap3A_78, %swap3A_79], %add3A {strides = array<i32>} : memref<1x4096xi32, #tpu.memory_space<vmem>>, vector<1x4096xi32>,
    } else {
    }
    return
  }
  func.func @transform_0(%arg0: i32) -> (i32, i32) {
    %c0_i32 = arith.constant 0 : i32
    %c0_i32_0 = arith.constant 0 : i32
    %c0_i32_1 = arith.constant 0 : i32
    return %c0_i32, %c0_i32_0 : i32, i32
  }
  func.func @transform_1(%arg0: i32) -> (i32, i32) {
    %c0_i32 = arith.constant 0 : i32
    %c0_i32_0 = arith.constant 0 : i32
    return %arg0, %c0_i32 : i32, i32
  }
  func.func @transform_2(%arg0: i32) -> (i32, i32) {
    %c0_i32 = arith.constant 0 : i32
    %c0_i32_0 = arith.constant 0 : i32
    %c0_i32_1 = arith.constant 0 : i32
    return %c0_i32, %c0_i32_0 : i32, i32
  }
  func.func @transform_3(%arg0: i32) -> (i32, i32) {
    %c0_i32 = arith.constant 0 : i32
    %c0_i32_0 = arith.constant 0 : i32
    %c0_i32_1 = arith.constant 0 : i32
    return %c0_i32, %c0_i32_0 : i32, i32
  }
  func.func @transform_4(%arg0: i32) -> (i32, i32) {
    %c0_i32 = arith.constant 0 : i32
    %c0_i32_0 = arith.constant 0 : i32
    %c0_i32_1 = arith.constant 0 : i32
    return %c0_i32, %c0_i32_0 : i32, i32
  }
  func.func @transform_5(%arg0: i32) -> (i32, i32) {
    %c0_i32 = arith.constant 0 : i32
    %c0_i32_0 = arith.constant 0 : i32
    %c0_i32_1 = arith.constant 0 : i32
    return %c0_i32, %c0_i32_0 : i32, i32
  }
  func.func @transform_6(%arg0: i32) -> (i32, i32) {
    %c0_i32 = arith.constant 0 : i32
    %c0_i32_0 = arith.constant 0 : i32
    %c0_i32_1 = arith.constant 0 : i32
    return %c0_i32, %c0_i32_0 : i32, i32
  }
}

module attributes {stable_mosaic.version = 14 : i64} {
  func.func @_loss_body(%arg0: memref<4096x128xf32, #tpu.memory_space<vmem>>, %arg1: memref<1024x128xf32, #tpu.memory_space<vmem>>, %arg2: memref<128x128xf32, #tpu.memory_space<vmem>>, %arg3: memref<64x64xf32, #tpu.memory_space<vmem>>, %arg4: memref<64x64xf32, #tpu.memory_space<vmem>>, %arg5: memref<1x1xf32, #tpu.memory_space<smem>>) attributes {dimension_semantics = [], scalar_prefetch = 0 : i64, scratch_operands = 0 : i64, tpu.core_type = #tpu.core_type<tc>} {
    %get3A = arith.constant 0 : index
    %get3A_0 = arith.constant 0 : index
    %get3A_1 = vector.load %arg2[%get3A, %get3A_0] : memref<128x128xf32, #tpu.memory_space<vmem>>, vector<128x128xf32>
    %get3A_2 = arith.constant 0 : index
    %get3A_3 = arith.constant 0 : index
    %get3A_4 = vector.load %arg3[%get3A_2, %get3A_3] : memref<64x64xf32, #tpu.memory_space<vmem>>, vector<64x64xf32>
    %get3A_5 = arith.constant 0 : index
    %get3A_6 = arith.constant 0 : index
    %get3A_7 = vector.load %arg4[%get3A_5, %get3A_6] : memref<64x64xf32, #tpu.memory_space<vmem>>, vector<64x64xf32>
    %slice3A = vector.extract_strided_slice %get3A_1 {offsets = [0, 0], sizes = [128, 64], strides = [1, 1]} : vector<128x128xf32> to vector<128x64xf32>
    %dot_general3A = arith.constant dense<0.000000e+00> : vector<128x64xf32>
    %dot_general3A_8 = tpu.matmul %slice3A, %get3A_4, %dot_general3A {dimension_numbers = #tpu.dot_dimension_numbers<[1], [0], [0], [1], [0, 0, 1, 1], [], []>, transpose_lhs_hint = false} : vector<128x64xf32>, vector<64x64xf32>, vector<128x64xf32> -> vector<128x64xf32>
    %slice3A_9 = vector.extract_strided_slice %get3A_1 {offsets = [0, 64], sizes = [128, 64], strides = [1, 1]} : vector<128x128xf32> to vector<128x64xf32>
    %dot_general3A_10 = arith.constant dense<0.000000e+00> : vector<128x64xf32>
    %dot_general3A_11 = tpu.matmul %slice3A_9, %get3A_7, %dot_general3A_10 {dimension_numbers = #tpu.dot_dimension_numbers<[1], [0], [0], [1], [0, 0, 1, 1], [], []>, transpose_lhs_hint = false} : vector<128x64xf32>, vector<64x64xf32>, vector<128x64xf32> -> vector<128x64xf32>
    %concatenate3A = tpu.concatenate %dot_general3A_8, %dot_general3A_11 in 1 : vector<128x64xf32>, vector<128x64xf32> -> vector<128x128xf32>
    %get3A_12 = arith.constant 0 : index
    %get3A_13 = arith.constant 0 : index
    %get3A_14 = vector.load %arg0[%get3A_12, %get3A_13] : memref<4096x128xf32, #tpu.memory_space<vmem>>, vector<4096x128xf32>
    %dot_general3A_15 = arith.constant dense<0.000000e+00> : vector<4096x128xf32>
    %dot_general3A_16 = tpu.matmul %get3A_14, %concatenate3A, %dot_general3A_15 {dimension_numbers = #tpu.dot_dimension_numbers<[1], [0], [0], [1], [0, 0, 1, 1], [], []>, transpose_lhs_hint = false} : vector<4096x128xf32>, vector<128x128xf32>, vector<4096x128xf32> -> vector<4096x128xf32>
    %get3A_17 = arith.constant 0 : index
    %get3A_18 = arith.constant 0 : index
    %get3A_19 = vector.load %arg1[%get3A_17, %get3A_18] : memref<1024x128xf32, #tpu.memory_space<vmem>>, vector<1024x128xf32>
    %concatenate3A_20 = tpu.concatenate %get3A_19, %get3A_19, %get3A_19, %get3A_19 in 0 : vector<1024x128xf32>, vector<1024x128xf32>, vector<1024x128xf32>, vector<1024x128xf32> -> vector<4096x128xf32>
    %iota3A = tpu.iota {dimensions = array<i32: 0>} : vector<4096x128xi32>
    %jit3A = arith.constant 1024 : i32
    %div3A = vector.broadcast %jit3A : i32 to vector<4096x128xi32>
    %div3A_21 = arith.divsi %iota3A, %div3A : vector<4096x128xi32>
    %sign3A = arith.constant 0 : i32
    %sign3A_22 = vector.broadcast %sign3A : i32 to vector<4096x128xi32>
    %sign3A_23 = arith.cmpi sgt, %iota3A, %sign3A_22 : vector<4096x128xi32>
    %sign3A_24 = arith.extui %sign3A_23 : vector<4096x128xi1> to vector<4096x128xi32>
    %sign3A_25 = arith.constant 0 : i32
    %sign3A_26 = vector.broadcast %sign3A_25 : i32 to vector<4096x128xi32>
    %sign3A_27 = arith.cmpi slt, %iota3A, %sign3A_26 : vector<4096x128xi32>
    %sign3A_28 = arith.extui %sign3A_27 : vector<4096x128xi1> to vector<4096x128xi32>
    %sign3A_29 = arith.subi %sign3A_24, %sign3A_28 : vector<4096x128xi32>
    %sign3A_30 = arith.constant 0 : i32
    %sign3A_31 = arith.cmpi sgt, %jit3A, %sign3A_30 : i32
    %sign3A_32 = arith.extui %sign3A_31 : i1 to i32
    %sign3A_33 = arith.constant 0 : i32
    %sign3A_34 = arith.cmpi slt, %jit3A, %sign3A_33 : i32
    %sign3A_35 = arith.extui %sign3A_34 : i1 to i32
    %sign3A_36 = arith.subi %sign3A_32, %sign3A_35 : i32
    %ne3A = vector.broadcast %sign3A_36 : i32 to vector<4096x128xi32>
    %ne3A_37 = arith.cmpi ne, %sign3A_29, %ne3A : vector<4096x128xi32>
    %rem3A = vector.broadcast %jit3A : i32 to vector<4096x128xi32>
    %rem3A_38 = arith.remsi %iota3A, %rem3A : vector<4096x128xi32>
    %ne3A_39 = arith.constant 0 : i32
    %ne3A_40 = vector.broadcast %ne3A_39 : i32 to vector<4096x128xi32>
    %ne3A_41 = arith.cmpi ne, %rem3A_38, %ne3A_40 : vector<4096x128xi32>
    %and3A = arith.andi %ne3A_37, %ne3A_41 : vector<4096x128xi1>
    %sub3A = arith.constant 1 : i32
    %sub3A_42 = vector.broadcast %sub3A : i32 to vector<4096x128xi32>
    %sub3A_43 = arith.subi %div3A_21, %sub3A_42 : vector<4096x128xi32>
    %select_n3A = arith.select %and3A, %sub3A_43, %div3A_21 : vector<4096x128xi1>, vector<4096x128xi32>
    %iota3A_44 = tpu.iota {dimensions = array<i32: 1>} : vector<4096x128xi32>
    %jit3A_45 = arith.constant 32 : i32
    %div3A_46 = vector.broadcast %jit3A_45 : i32 to vector<4096x128xi32>
    %div3A_47 = arith.divsi %iota3A_44, %div3A_46 : vector<4096x128xi32>
    %sign3A_48 = arith.constant 0 : i32
    %sign3A_49 = vector.broadcast %sign3A_48 : i32 to vector<4096x128xi32>
    %sign3A_50 = arith.cmpi sgt, %iota3A_44, %sign3A_49 : vector<4096x128xi32>
    %sign3A_51 = arith.extui %sign3A_50 : vector<4096x128xi1> to vector<4096x128xi32>
    %sign3A_52 = arith.constant 0 : i32
    %sign3A_53 = vector.broadcast %sign3A_52 : i32 to vector<4096x128xi32>
    %sign3A_54 = arith.cmpi slt, %iota3A_44, %sign3A_53 : vector<4096x128xi32>
    %sign3A_55 = arith.extui %sign3A_54 : vector<4096x128xi1> to vector<4096x128xi32>
    %sign3A_56 = arith.subi %sign3A_51, %sign3A_55 : vector<4096x128xi32>
    %sign3A_57 = arith.constant 0 : i32
    %sign3A_58 = arith.cmpi sgt, %jit3A_45, %sign3A_57 : i32
    %sign3A_59 = arith.extui %sign3A_58 : i1 to i32
    %sign3A_60 = arith.constant 0 : i32
    %sign3A_61 = arith.cmpi slt, %jit3A_45, %sign3A_60 : i32
    %sign3A_62 = arith.extui %sign3A_61 : i1 to i32
    %sign3A_63 = arith.subi %sign3A_59, %sign3A_62 : i32
    %ne3A_64 = vector.broadcast %sign3A_63 : i32 to vector<4096x128xi32>
    %ne3A_65 = arith.cmpi ne, %sign3A_56, %ne3A_64 : vector<4096x128xi32>
    %rem3A_66 = vector.broadcast %jit3A_45 : i32 to vector<4096x128xi32>
    %rem3A_67 = arith.remsi %iota3A_44, %rem3A_66 : vector<4096x128xi32>
    %ne3A_68 = arith.constant 0 : i32
    %ne3A_69 = vector.broadcast %ne3A_68 : i32 to vector<4096x128xi32>
    %ne3A_70 = arith.cmpi ne, %rem3A_67, %ne3A_69 : vector<4096x128xi32>
    %and3A_71 = arith.andi %ne3A_65, %ne3A_70 : vector<4096x128xi1>
    %sub3A_72 = arith.constant 1 : i32
    %sub3A_73 = vector.broadcast %sub3A_72 : i32 to vector<4096x128xi32>
    %sub3A_74 = arith.subi %div3A_47, %sub3A_73 : vector<4096x128xi32>
    %select_n3A_75 = arith.select %and3A_71, %sub3A_74, %div3A_47 : vector<4096x128xi1>, vector<4096x128xi32>
    %eq3A = arith.cmpi eq, %select_n3A, %select_n3A_75 : vector<4096x128xi32>
    %jit3A_76 = arith.constant 0.000000e+00 : f32
    %broadcast_in_dim3A = vector.broadcast %jit3A_76 : f32 to vector<4096x128xf32>
    %select_n3A_77 = arith.select %eq3A, %concatenate3A_20, %broadcast_in_dim3A : vector<4096x128xi1>, vector<4096x128xf32>
    %jit3A_78 = arith.constant 0.000000e+00 : f32
    %broadcast_in_dim3A_79 = vector.broadcast %jit3A_78 : f32 to vector<4096x128xf32>
    %select_n3A_80 = arith.select %eq3A, %dot_general3A_16, %broadcast_in_dim3A_79 : vector<4096x128xi1>, vector<4096x128xf32>
    %mul3A = arith.mulf %select_n3A_77, %select_n3A_80 : vector<4096x128xf32>
    %reduce_sum3A = arith.constant dense<0.000000e+00> : vector<4096xf32>
    %reduce_sum3A_81 = vector.multi_reduction <add>, %mul3A, %reduce_sum3A [1] : vector<4096x128xf32> to vector<4096xf32>
    %broadcast_in_dim3A_82 = vector.shape_cast %reduce_sum3A_81 : vector<4096xf32> to vector<4096x1xf32>
    %mul3A_83 = arith.mulf %select_n3A_77, %select_n3A_77 : vector<4096x128xf32>
    %reduce_sum3A_84 = arith.constant dense<0.000000e+00> : vector<4096xf32>
    %reduce_sum3A_85 = vector.multi_reduction <add>, %mul3A_83, %reduce_sum3A_84 [1] : vector<4096x128xf32> to vector<4096xf32>
    %broadcast_in_dim3A_86 = vector.shape_cast %reduce_sum3A_85 : vector<4096xf32> to vector<4096x1xf32>
    %sqrt3A = math.sqrt %broadcast_in_dim3A_86 : vector<4096x1xf32>
    %mul3A_87 = arith.mulf %select_n3A_80, %select_n3A_80 : vector<4096x128xf32>
    %reduce_sum3A_88 = arith.constant dense<0.000000e+00> : vector<4096xf32>
    %reduce_sum3A_89 = vector.multi_reduction <add>, %mul3A_87, %reduce_sum3A_88 [1] : vector<4096x128xf32> to vector<4096xf32>
    %broadcast_in_dim3A_90 = vector.shape_cast %reduce_sum3A_89 : vector<4096xf32> to vector<4096x1xf32>
    %sqrt3A_91 = math.sqrt %broadcast_in_dim3A_90 : vector<4096x1xf32>
    %jit3A_92 = arith.constant 9.99999993E-9 : f32
    %max3A = vector.broadcast %jit3A_92 : f32 to vector<4096x1xf32>
    %max3A_93 = arith.maximumf %max3A, %sqrt3A : vector<4096x1xf32>
    %jit3A_94 = arith.constant 9.99999993E-9 : f32
    %max3A_95 = vector.broadcast %jit3A_94 : f32 to vector<4096x1xf32>
    %max3A_96 = arith.maximumf %max3A_95, %sqrt3A_91 : vector<4096x1xf32>
    %mul3A_97 = arith.mulf %max3A_93, %max3A_96 : vector<4096x1xf32>
    %div3A_98 = arith.divf %broadcast_in_dim3A_82, %mul3A_97 : vector<4096x1xf32>
    %reduce_sum3A_99 = vector.shape_cast %div3A_98 : vector<4096x1xf32> to vector<1x4096x1xf32>
    %reduce_sum3A_100 = arith.constant dense<0.000000e+00> : vector<1xf32>
    %reduce_sum3A_101 = vector.multi_reduction <add>, %reduce_sum3A_99, %reduce_sum3A_100 [1, 2] : vector<1x4096x1xf32> to vector<1xf32>
    %reduce_sum3A_102 = vector.shape_cast %reduce_sum3A_101 : vector<1xf32> to vector<1x1x1xf32>
    %reduce_sum3A_103 = vector.extract %reduce_sum3A_102[0, 0, 0] : f32 from vector<1x1x1xf32>
    %neg3A = arith.constant 0.000000e+00 : f32
    %neg3A_104 = arith.subf %neg3A, %reduce_sum3A_103 : f32
    %div3A_105 = arith.constant 4.096000e+03 : f32
    %div3A_106 = arith.divf %neg3A_104, %div3A_105 : f32
    %swap3A = arith.constant 0 : index
    %swap3A_107 = arith.constant 0 : index
    %swap3A_108 = memref.load %arg5[%swap3A, %swap3A_107] : memref<1x1xf32, #tpu.memory_space<smem>>
    memref.store %div3A_106, %arg5[%swap3A, %swap3A_107] : memref<1x1xf32, #tpu.memory_space<smem>>
    return
  }
}

</mosaic_0001>

<sc_bundles>
// kernel: kernel.5.cloned.1.call-start
scs
__scs_entry_jumppad:
0x0: {  	(pc) =	sbr.rel $0x88, $3  }
0x1: {  	(tag) =	ssettag $0x0;
	lr =	simm.s32 $0x1  }
0x2: {  	[smem:$0x3F9C] =	sst lr;
	_ =	strace $0xD0000000  }
0x3: {  	_ = 	snop  }
0x4: {  	_ = 	snop  }
0x5: {  	_ = 	snop  }
0x6: {  	_ = 	snop  }
0x7: {  	_ = 	snop  }
__scs_overlays_trampoline_lowered:
0x8: {  	[smem:$0x3FAB] =	sst s0  }
0x9: {  	[smem:$0x3FAC] =	sst s1  }
0xa: {  	[smem:$0x3FAD] =	sst s2  }
0xb: {  	[smem:$0x3FAE] =	sst s3  }
0xc: {  	[smem:$0x3FAF] =	sst s4  }
0xd: {  	[smem:$0x3FB0] =	sst s5  }
0xe: {  	[smem:$0x3FB1] =	sst s6  }
0xf: {  	[smem:$0x3FB2] =	sst s7  }
0x10: {  	[smem:$0x3FB3] =	sst s8  }
0x11: {  	[smem:$0x3FB4] =	sst s9;
	s0 =	simm.s32 @!p0 $0x0  }
0x12: {  	s1 =	sld [smem:$0x3F9A];
	s0 =	simm.s32 @p0 $0x1  }
0x13: {  	[smem:$0x3FB5] =	sst s0;
	s0 =	simm.s32 @!p1 $0x0  }
0x14: {  	s2 =	sld [smem:$0x3F99];
	s0 =	simm.s32 @p1 $0x1  }
0x15: {  	[smem:$0x3FB6] =	sst s0;
	s0 =	simm.s32 @!p2 $0x0  }
0x16: {  	s3 =	sld [smem:$0x3FDB];
	s0 =	simm.s32 @p2 $0x1  }
0x17: {  	s4 =	simm.s32 $0x1BF5;
	[smem:$0x3FB8] =	sst s0  }
0x18: {  	s0 =	sld [smem:$0x3F9B];
	_ =	swait.ge [sflag:s4], $0x0  }
0x19: {  	s7 =	sld [smem:$0x3F9C]  }
0x1a: {  	s8 =	sadd.s32 $0xFFFFE003, lr  }
0x1b: {  	s9 =	sadd.s32 $0xFFFFFEF7, lr;
	s5 =	simm.s32 $0xFFFFFFFF;
	p2 =	slt.u32 s8, $0xFFFFF086  }
0x1c: {  	p1 =	slt.u32 s9, $0xF7A;
	s5 =	simm.s32 @!p2 $0x0  }
0x1d: {  	s5 =	simm.s32 @p1 $0x1;
	p0 =	seq.s32 s7, s2  }
0x1e: {  	s7 =	smul.u32 @!p0 $0xF7A, s2;
	p2 =	seq.s32 @!p0 s5, $0x0  }
0x1f: {  	s9 =	smul.u32 $0xF7A, s1;
	s8 =	simm.s32 @!p0 $0x1BF5;
	p2 =	por !p2, p0  }
0x20: {  	[sflag:s8] =	ssyncset.s32 @!p0 $0xFFFFF086;
	s6 =	sadd.s32 @!p0 s3, s7;
	s7 =	simm.s32 @!p0 $0x108  }
0x21: {  	s3 =	sadd.s32 s3, s9;
	s6 =	sadd.s32 @!p0 $0x88, s6;
	s7 =	simm.s32 @p2 $0x1082  }
0x22: {  	[simem:s7], [sflag:s8] =	dma.local @!p0 [hbm:s6], $0xF7A  }
0x23: {  	s9 =	sor.u32 $0xD0000000, s2;
	s6 =	simm.s32 $0x108;
	_ =	swait.ge @!p0 [sflag:s8], $0x0  }
0x24: {  	s3 =	sadd.s32 $0x88, s3;
	s6 =	simm.s32 @!p1 $0x1082;
	[sflag:s4] =	ssyncset.s32 $0xFFFFF086  }
0x25: {  	[simem:s6], [sflag:s4] =	dma.local [hbm:s3], $0xF7A  }
0x26: {  	[smem:$0x3F9C] =	sst s1;
	(tag) =	ssettag s2;
	_ =	strace s9  }
0x27: {  	s1 =	sld [smem:$0x3FAC]  }
0x28: {  	s2 =	sld [smem:$0x3FAD]  }
0x29: {  	s4 =	sld [smem:$0x3FAF]  }
0x2a: {  	p0 =	seq.s32 s5, $0x0;
	s5 =	sld [smem:$0x3FB0]  }
0x2b: {  	s6 =	sld [smem:$0x3FB1]  }
0x2c: {  	s7 =	sld [smem:$0x3FB2]  }
0x2d: {  	s3 =	simm.s32 $0x108;
	s8 =	sld [smem:$0x3FB3]  }
0x2e: {  	s3 =	simm.s32 @!p0 $0x1082;
	s9 =	sld [smem:$0x3FB4]  }
0x2f: {  	lr =	sadd.s32 s0, s3;
	s0 =	sld [smem:$0x3FAB]  }
0x30: {  	s3 =	sld [smem:$0x3FAE]  }
0x31: {  	[smem:$0x3FB7] =	sst s10  }
0x32: {  	s10 =	sld [smem:$0x3FB5];
	_ =	sdelay $0x3  }
0x33: {  	p0 =	seq.s32 s10, $0x1;
	s10 =	sld [smem:$0x3FB7];
	_ =	sdelay $0x3  }
0x34: {  	[smem:$0x3FB7] =	sst s10  }
0x35: {  	s10 =	sld [smem:$0x3FB6];
	_ =	sdelay $0x3  }
0x36: {  	p1 =	seq.s32 s10, $0x1;
	s10 =	sld [smem:$0x3FB7];
	_ =	sdelay $0x3  }
0x37: {  	[smem:$0x3FB7] =	sst s10  }
0x38: {  	s10 =	sld [smem:$0x3FB8]  }
0x39: {  	_ = 	snop;
	(pc) =	sbr.ind lr, $3  }
0x3a: {  	_ = 	snop  }
0x3b: {  	_ = 	snop  }
0x3c: {  	p2 =	seq.s32 s10, $0x1;
	s10 =	sld [smem:$0x3FB7]  }
0x3d: {  	_ =	shalt  }
0x3e: {  	_ =	shalt  }
0x3f: {  	_ =	shalt  }
0x40: {  	_ =	shalt  }
0x41: {  	_ =	shalt  }
0x42: {  	_ =	shalt  }
0x43: {  	_ =	shalt  }
0x44: {  	_ =	shalt  }
0x45: {  	_ =	shalt  }
0x46: {  	_ =	shalt  }
0x47: {  	_ =	shalt  }
0x48: {  	_ =	shalt  }
0x49: {  	_ =	shalt  }
0x4a: {  	_ =	shalt  }
0x4b: {  	_ =	shalt  }
0x4c: {  	_ =	shalt  }
0x4d: {  	_ =	shalt  }
0x4e: {  	_ =	shalt  }
0x4f: {  	_ =	shalt  }
0x50: {  	_ =	shalt  }
0x51: {  	_ =	shalt  }
0x52: {  	_ =	shalt  }
0x53: {  	_ =	shalt  }
0x54: {  	_ =	shalt  }
0x55: {  	_ =	shalt  }
0x56: {  	_ =	shalt  }
0x57: {  	_ =	shalt  }
0x58: {  	_ =	shalt  }
0x59: {  	_ =	shalt  }
0x5a: {  	_ =	shalt  }
0x5b: {  	_ =	shalt  }
0x5c: {  	_ =	shalt  }
0x5d: {  	_ =	shalt  }
0x5e: {  	_ =	shalt  }
0x5f: {  	_ =	shalt  }
0x60: {  	_ =	shalt  }
0x61: {  	_ =	shalt  }
0x62: {  	_ =	shalt  }
0x63: {  	_ =	shalt  }
0x64: {  	_ =	shalt  }
0x65: {  	_ =	shalt  }
0x66: {  	_ =	shalt  }
0x67: {  	_ =	shalt  }
0x68: {  	_ =	shalt  }
0x69: {  	_ =	shalt  }
0x6a: {  	_ =	shalt  }
0x6b: {  	_ =	shalt  }
0x6c: {  	_ =	shalt  }
0x6d: {  	_ =	shalt  }
0x6e: {  	_ =	shalt  }
0x6f: {  	_ =	shalt  }
0x70: {  	_ =	shalt  }
0x71: {  	_ =	shalt  }
0x72: {  	_ =	shalt  }
0x73: {  	_ =	shalt  }
0x74: {  	_ =	shalt  }
0x75: {  	_ =	shalt  }
0x76: {  	_ =	shalt  }
0x77: {  	_ =	shalt  }
0x78: {  	_ =	shalt  }
0x79: {  	_ =	shalt  }
0x7a: {  	_ =	shalt  }
0x7b: {  	_ =	shalt  }
0x7c: {  	_ =	shalt  }
0x7d: {  	_ =	shalt  }
0x7e: {  	_ =	shalt  }
0x7f: {  	_ =	shalt  }
0x80: {  	_ =	shalt  }
0x81: {  	_ =	shalt  }
0x82: {  	_ =	shalt  }
0x83: {  	_ =	shalt  }
0x84: {  	_ =	shalt  }
0x85: {  	_ =	shalt  }
0x86: {  	_ =	shalt  }
0x87: {  	_ =	shalt  }
.Lfunc_end0:
.L_simem_size_0:
called_computation_lowered:
.L_overlay_start_0:
0x88: {  	s2 =	sld [smem:$0x3FD9]  }
0x89: {  	s3 =	sld [smem:$0x3FFE];
	_ =	sdelay $0x1  }
0x8a: {  	s1 =	srdreg.scid  }
0x8b: {  	s0 =	sand.u32 $0x1, s1  }
0x8c: {  	s17 =	sshll.u32 s0, $0xA;
	s2 =	sadd.s32 s3, s2  }
0x8d: {  	s2 =	sadd.s32 s2, s17  }
0x8e: {  	[smem:$0x3FC3] =	sst s2  }
0x8f: {  	_ = 	snop  }
0x90: {  	s2 =	sld [smem:$0x3FC8];
	(tm) =	ssettm $0x1  }
0x91: {  	s18 =	sld [smem:$0x3FFB];
	_ =	sdelay $0x3  }
0x92: {  	_ =	strace s18  }
0x93: {  	s3 =	sld [smem:$0x3FFC];
	_ =	sdelay $0x3  }
0x94: {  	_ =	strace s3  }
0x95: {  	s3 =	sld [smem:$0x3FFD];
	_ =	sdelay $0x3  }
0x96: {  	_ =	strace s3  }
0x97: {  	_ =	strace $0x8FFFFFFF  }
0x98: {  	s19 =	sld [smem:$0x3FDB];
	_ =	sdelay $0x1  }
0x99: {  	s4 =	simm.s32 $_scs_section_size  }
0x9a: {  	s5 =	simm.s32 $_size__tile_overlayer_lowered;
	s6 =	simm.s32 $_tile_overlayer_lowered  }
0x9b: {  	s22 =	simm.s32 $0x1BFF;
	s21 =	sshll.u32 s6, $0x1;
	s3 =	sadd.s32 s4, s19  }
0x9c: {  	s7 =	simm.s32 $0x0;
	s20 =	sshll.u32 s5, $0x1;
	s5 =	sadd.s32 s21, s3  }
0x9d: {  	[timem:s7], [sflag:s22] =	dma.local [hbm:s5], s20  }
0x9e: {  	_ =	swait.ge [sflag:s22], s20  }
0x9f: {  	s4 =	ssub.s32 $0x0, s20;
	[sflag:s22] =	ssyncset.done $0x0  }
0xa0: {  	[sflag:s22] =	ssyncadd.s32 s4;
	_ =	sdelay $0x1  }
0xa1: {  	s23 =	simm.s32 $0x1B8B  }
0xa2: {  	_ =	swait.ge [sflag:s23], $0x1  }
0xa3: {  	[sflag:s23] =	ssyncset.done $0x0  }
0xa4: {  	s25 =	simm.s32 $0x1B8E;
	s24 =	sld [smem:$0x3FFE];
	[sflag:s23] =	ssyncadd.s32 $0xFFFFFFFF  }
0xa5: {  	s26 =	simm.s32 $execute0_lowered;
	[smem:$0x3FD2] =	sst s25  }
0xa6: {  	s5 =	sshll.u32 s26, $0x1;
	_ =	strace $0x80000046;
	[dreg:$0x1] =	wrdreg $0xFFFFFFFF  }
0xa7: {  	s28 =	simm.s32 $_size_execute0_lowered;
	s3 =	sadd.s32 s3, s5;
	[dreg:$0x0] =	wrdreg $0x0  }
0xa8: {  	s5 =	sshll.u32 s28, $0x1;
	[dreg:$0x2] =	wrdreg s3  }
0xa9: {  	[dreg:$0x3] =	wrdreg s5  }
0xaa: {  	[dreg:$0x4] =	wrdreg $0xC0  }
0xab: {  	_ =	task [dreg:s7], $0x5FFFF  }
0xac: {  	[dreg:$0x1] =	wrdreg $0xFFFFFFFF  }
0xad: {  	[dreg:$0x0] =	wrdreg $0x60  }
0xae: {  	[dreg:$0x2] =	wrdreg s24  }
0xaf: {  	[dreg:$0x3] =	wrdreg s2  }
0xb0: {  	[dreg:$0x4] =	wrdreg $0x9  }
0xb1: {  	_ =	task.clear_ibuf [dreg:s7], $0x5FFFF;
	_ =	strace $0x90000046  }
0xb2: {  	s29 =	simm.s32 $0x9;
	_ =	strace $0x80000048  }
0xb3: {  	_ =	swait.ge [sflag:s29], $0x1  }
0xb4: {  	[sflag:s29] =	ssyncadd.s32 $0xFFFFFFFF  }
0xb5: {  	_ =	strace $0x90000048  }
0xb6: {  	_ =	sfence  }
0xb7: {  	s30 =	sld [smem:$0x0];
	_ =	sdelay $0x2  }
0xb8: {  	s31 =	sshll.u32 s1, $0xD;
	s1 =	sshrl.u32 s1, $0x2  }
0xb9: {  	s3 =	sand.u32 $0x4000, s31;
	s1 =	sadd.s32 s1, s30  }
0xba: {  	s0 =	sor.u32 s3, s0;
	s1 =	sshll.u32 s1, $0x11  }
0xbb: {  	s0 =	sor.u32 s1, s0  }
0xbc: {  	s0 =	sadd.s32 $0x8F2B, s0  }
0xbd: {  	[sflag:s0] =	ssyncadd.remote.s32 $0x1  }
0xbe: {  	_ =	sfence.sel $0xFFFF  }
0xbf: {  	[dreg:$0x0] =	wrdreg $0xFFFFFFFF;
	(pc) =	sbr.abs _section_cstart, $3  }
0xc0: {  	[dreg:$0x1] =	wrdreg $0xFFFFFFFF  }
0xc1: {  	_ =	task.clear_ibuf [dreg:s7], $0x2FFFF;
	_ =	strace $0x9FFFFFFF  }
0xc2: {  	(tm) =	ssettm $0x7FFFFFFF  }
0xc3: {  	_ =	shalt  }
tec
execute0_lowered:
.L_overlay_start_1:
0x0: {  	(tag) =	ssettag $0x1  }
0x1: {  	s1 =	srdreg.scid  }
0x2: {  	s0 =	stileid.u32;
	s6 =	sand.u32 $0x1, s1  }
0x3: {  	s8 =	rddreg [dreg:$0x0];
	s30 =	sshll.u32 s0, $0x8;
	s3 =	sshll.u32 s6, $0x7  }
0x4: {  	s2 =	rddreg [dreg:$0x1];
	s7 =	simm.s32 $0x1;
	s9 =	sor.u32 s3, s30  }
0x5: {  	s1 =	rddreg [dreg:$0x2];
	s3 =	simm.s32 $0x0;
	s4 =	sshrl.u32 s9, $0x3  }
0x6: {  	s10 =	ssub.s32 $0x2, s6;
	[smem:$0x7FF] =	sst s3;
	s4 =	sadd.s32 s4, s8  }
0x7: {  	_ =	strace $0x80000047;
	s5 =	sadd.s32 $0x1800, s4;
	s4 =	simm.s32 $0x2  }
0x8: {  	[tilespmem:s3], [sflag:$0x2] =	stream.linear.gather [hbm4b:s5+s3], $0x80, $0x38;
	[tilespmem:$0x4080] =	vst v63  }
0x9: {  	s6 =	simm.s32 $0x80;
	s11 =	sshrl.u32 s10, $0x1;
	_ =	swait.ge [sflag:s4], $0x80  }
0xa: {  	s9 =	sshll.u32 s9, $0x4;
	s31 =	ssub.s32 s10, s11;
	[sflag:s4] =	ssyncset.done $0x0  }
0xb: {  	s8 =	sadd.s32 s9, s8;
	s9 =	smax.u32 s31, $0x1;
	[sflag:s4] =	ssyncadd.s32 $0xFFFFFF80  }
0xc: {  	[tilespmem:s6], [sflag:$0x1] =	stream.indirect.gather [hbm4b:s2+s6], $0x80, s3, s6, $0xb8;
	[tilespmem:$0x4080] =	vst v63  }
0xd: {  	p0 =	sne.s32 s9, $0x1;
	_ =	swait.ge [sflag:s7], $0x4000  }
.Ltmp0:
0xe: {  	[sflag:s7] =	ssyncset.done $0x0;
	(pc) =	sbr.rel @!p0 .LBB2_2-.Ltmp0, $4  }
0xf: {  	s8 =	sadd.s32 $0x1A00, s8;
	[sflag:s7] =	ssyncadd.s32 $0xFFFFC000  }
0x10: {  	[hbm4b:s8+s3] =	stream.linear.scatter [tilespmem:s6], [sflag:$0x2], $0x4000, $0x38;
	[tilespmem:$0x4080] =	vst v63  }
0x11: {  	_ =	swait.ge [sflag:s4], $0x4000  }
0x12: {  	s9 =	sadd.s32 $0xFFFFFFFF, s9;
	[sflag:s4] =	ssyncset.done $0x0  }
.LBB2_1:
0x13: {  	p0 =	sne.s32 s9, $0x1;
	s9 =	sadd.s32 $0xFFFFFFFF, s9;
	[sflag:s4] =	ssyncadd.s32 $0xFFFFC000  }
0x14: {  	[tilespmem:s3], [sflag:$0x2] =	stream.linear.gather [hbm4b:s5+s3], $0x80, $0x38;
	[tilespmem:$0x4080] =	vst v63  }
0x15: {  	_ =	swait.ge [sflag:s4], $0x80  }
0x16: {  	[sflag:s4] =	ssyncset.done $0x0  }
0x17: {  	[sflag:s4] =	ssyncadd.s32 $0xFFFFFF80  }
0x18: {  	[tilespmem:s6], [sflag:$0x1] =	stream.indirect.gather [hbm4b:s2+s6], $0x80, s3, s6, $0xb8;
	[tilespmem:$0x4080] =	vst v63  }
0x19: {  	_ =	swait.ge [sflag:s7], $0x4000  }
.Ltmp1:
0x1a: {  	[sflag:s7] =	ssyncset.done $0x0;
	(pc) =	sbr.rel @p0 .LBB2_1-.Ltmp1, $4  }
0x1b: {  	[sflag:s7] =	ssyncadd.s32 $0xFFFFC000  }
0x1c: {  	[hbm4b:s8+s3] =	stream.linear.scatter [tilespmem:s6], [sflag:$0x2], $0x4000, $0x38;
	[tilespmem:$0x4080] =	vst v63  }
0x1d: {  	_ =	swait.ge [sflag:s4], $0x4000  }
0x1e: {  	[sflag:s4] =	ssyncset.done $0x0  }
.LBB2_2:
0x1f: {  	[sflag:s4] =	ssyncadd.s32 $0xFFFFC000  }
0x20: {  	_ =	sfence.sel $0x180000  }
0x21: {  	[bflag:$0x0] =	sbarrier.arrive $0xFFFF  }
0x22: {  	p0 =	sne.s32 s0, $0x0;
	_ =	strace $0x90000047  }
0x23: {  	s0 =	sadd.s32 @!p0 $0x100000, s1;
	[bflag:$0x2] =	sbarrier.arrive $0xFFFF  }
0x24: {  	[sflag:s0] =	ssyncadd.tile.s32 @!p0 $0x1;
	_ =	shalt  }
.Lfunc_end2:
_tile_overlayer_lowered:
.L_overlay_start_2:
0x25: {  	(tag) =	ssettag $0x2  }
0x26: {  	s0 =	rddreg [dreg:$0x0];
	s2 =	stileid.u32  }
0x27: {  	s1 =	rddreg [dreg:$0x1];
	p0 =	sne.s32 s2, $0x0  }
0x28: {  	s3 =	rddreg [dreg:$0x2];
	[bflag:$0x3] =	sbarrier.arrive $0xFFFF;
	s2 =	simm.s32 @!p0 $0x1C02  }
0x29: {  	[timem:s3], [sflag:s2] =	dma.local @!p0 [hbm:s0], s1  }
0x2a: {  	s0 =	simm.s32 @!p0 $0x2  }
0x2b: {  	_ =	swait.ge @!p0 [sflag:s0], s1  }
0x2c: {  	s1 =	ssub.s32 @!p0 $0x0, s1;
	[sflag:s0] =	ssyncset.done @!p0 $0x0  }
0x2d: {  	[sflag:s0] =	ssyncadd.s32 @!p0 s1  }
0x2e: {  	[bflag:$0x3] =	sbarrier.arrive $0xFFFF  }
0x2f: {  	_ =	shalt  }

</sc_bundles>
